<compile_context>
chip_gen: v7x
topology: tpu7x:2x2x1
jax: 0.10.2.dev20260603
libtpu: 0.0.44.dev20260713+nightly
codegen_flags: <defaults>
</compile_context>

<pallas_src>
import functools

import jax
import jax.numpy as jnp
from jax import lax
from jax.experimental import pallas as pl
from jax.experimental.pallas import tpu as pltpu
from jax.experimental.pallas import tpu_sc as plsc

_D = 32
_NC = 2
_NS = 16
_NW = _NC * _NS
_CB = 32


def _sc_gather(idx, table):
    batch, hist = idx.shape
    per_w = batch // _NW
    n_chunks = per_w // _CB

    @functools.partial(
        pl.kernel,
        out_type=jax.ShapeDtypeStruct((batch, hist, _D), jnp.float32),
        mesh=plsc.VectorSubcoreMesh(core_axis_name="c", subcore_axis_name="s"),
        compiler_params=pltpu.CompilerParams(use_tc_tiling_on_sc=False),
        scratch_types=[
            pltpu.VMEM((_CB, hist), jnp.int32),
            pltpu.VMEM((_CB, hist), jnp.int32),
            pltpu.VMEM((_CB, hist, _D), jnp.float32),
            pltpu.VMEM((_CB, hist, _D), jnp.float32),
            pltpu.SemaphoreType.DMA,
            pltpu.SemaphoreType.DMA,
            pltpu.SemaphoreType.DMA,
            pltpu.SemaphoreType.DMA,
            pltpu.SemaphoreType.DMA,
        ],
    )
    def k(idx_hbm, table_hbm, out_hbm, idx_v0, idx_v1, rows_v0, rows_v1,
          gsem, isem0, isem1, osem0, osem1):
        wid = lax.axis_index("s") * _NC + lax.axis_index("c")
        base = wid * per_w
        idx_bufs = (idx_v0, idx_v1)
        rows_bufs = (rows_v0, rows_v1)
        isems = (isem0, isem1)
        osems = (osem0, osem1)

        def idx_copy(g, p):
            return pltpu.make_async_copy(
                idx_hbm.at[pl.ds(base + g * _CB, _CB)], idx_bufs[p], isems[p])

        def out_copy(g, p):
            return pltpu.make_async_copy(
                rows_bufs[p], out_hbm.at[pl.ds(base + g * _CB, _CB)],
                osems[p])

        idx_copy(0, 0).start()

        def sub_iter(g, p):
            idx_copy(g, p).wait()

            @pl.when(g + 1 < n_chunks)
            def _():
                idx_copy(g + 1, 1 - p).start()

            @pl.when(g >= 2)
            def _():
                out_copy(g - 2, p).wait()

            def fire(b, carry):
                pltpu.make_async_copy(
                    table_hbm.at[idx_bufs[p].at[b]],
                    rows_bufs[p].at[b],
                    gsem,
                ).start()
                return carry

            lax.fori_loop(0, _CB, fire, 0)
            pltpu.make_async_copy(
                out_hbm.at[pl.ds(base + g * _CB, _CB)], rows_bufs[p],
                gsem).wait()
            out_copy(g, p).start()

        def body(g2, carry):
            sub_iter(2 * g2, 0)
            sub_iter(2 * g2 + 1, 1)
            return carry

        lax.fori_loop(0, n_chunks // 2, body, 0)
        out_copy(n_chunks - 2, (n_chunks - 2) % 2).wait()
        out_copy(n_chunks - 1, (n_chunks - 1) % 2).wait()

    return k(idx, table)


def kernel(input, weight):
    return _sc_gather(input, weight)

# --- scband reference (transcript-rebuilt; emitter-appended) ---
"""Pipeline reference for scband-poincare-embedding-30571577213776 (READ-ONLY COPY).

The authoritative reference and input builder live on the scoring server;
editing this copy changes nothing except your own understanding.
"""

import jax, jax.numpy as jnp
import numpy as np

NUM_EMBEDDINGS = 1000000
EMBEDDING_DIM = 32
BATCH = 16384
HIST_LEN = 50

def setup_inputs(seed: int = 0) -> dict:
    key = jax.random.key(seed)
    k_idx, k_w = jax.random.split(key)
    input = jax.random.randint(k_idx, (BATCH, HIST_LEN), 0, NUM_EMBEDDINGS, dtype=jnp.int32)
    # PoincareEmbedding.reset_parameters: uniform_(-0.1, 0.1)
    weight = jax.random.uniform(k_w, (NUM_EMBEDDINGS, EMBEDDING_DIM), dtype=jnp.float32, minval=-0.1, maxval=0.1)
    return {"input": input, "weight": weight}

def reference(input, weight):
    # F.embedding with padding_idx=None, max_norm=None is a plain row gather
    embedded = jnp.take(weight, input, axis=0)
    return embedded

if __name__ == "__main__":
    import jax
    _d = setup_inputs()
    print(jax.jit(kernel)(*tuple(_d.values())))

</pallas_src>

<mosaic_0001>
#map = affine_map<(d0, d1) -> (0, 0)>
#map1 = affine_map<(d0, d1) -> (0, 0, 0)>
module attributes {stable_mosaic.version = 14 : i64} {
  func.func @k(%arg0: i32, %arg1: i32, %arg2: memref<16384x50xi32, #tpu.memory_space<hbm>>, %arg3: memref<1000000x32xf32, #tpu.memory_space<hbm>>, %arg4: memref<16384x50x32xf32, #tpu.memory_space<hbm>>, %arg5: memref<32x50xi32, #tpu.memory_space<vmem>>, %arg6: memref<32x50xi32, #tpu.memory_space<vmem>>, %arg7: memref<32x50x32xf32, #tpu.memory_space<vmem>>, %arg8: memref<32x50x32xf32, #tpu.memory_space<vmem>>, %arg9: memref<!tpu.dma_semaphore, #tpu.memory_space<semaphore_mem>>, %arg10: memref<!tpu.dma_semaphore, #tpu.memory_space<semaphore_mem>>, %arg11: memref<!tpu.dma_semaphore, #tpu.memory_space<semaphore_mem>>, %arg12: memref<!tpu.dma_semaphore, #tpu.memory_space<semaphore_mem>>, %arg13: memref<!tpu.dma_semaphore, #tpu.memory_space<semaphore_mem>>) attributes {dimension_semantics = [#tpu.dimension_semantics<core_parallel>, #tpu.dimension_semantics<subcore_parallel>], iteration_bounds = array<i64: 2, 16>, scalar_prefetch = 0 : i64, scratch_operands = 9 : i64, tpu.core_type = #tpu.core_type<sc_vector_subcore>, window_params = [{transform_indices = #map}, {transform_indices = #map}, {transform_indices = #map1}]} {
    %mul3A = arith.constant 2 : i32
    %mul3A_0 = arith.muli %arg1, %mul3A : i32
    %add3A = arith.addi %mul3A_0, %arg0 : i32
    %mul3A_1 = arith.constant 512 : i32
    %mul3A_2 = arith.muli %add3A, %mul3A_1 : i32
    %add3A_3 = arith.constant 0 : i32
    %add3A_4 = arith.addi %mul3A_2, %add3A_3 : i32
    %dma_start3A = arith.constant 0 : i32
    %dma_start3A_5 = tpu.memref_slice %arg2[%add3A_4, %dma_start3A] : memref<16384x50xi32, #tpu.memory_space<hbm>> -> memref<32x50xi32, #tpu.memory_space<hbm>>
    %dma_start3A_6 = arith.constant 0 : i32
    %dma_start3A_7 = tpu.memref_slice %arg2[%add3A_4, %dma_start3A_6] : memref<16384x50xi32, #tpu.memory_space<hbm>> -> memref<32x50xi32, #tpu.memory_space<hbm>>
    tpu.enqueue_dma source(%dma_start3A_7 : memref<32x50xi32, #tpu.memory_space<hbm>>) target(%arg5 : memref<32x50xi32, #tpu.memory_space<vmem>>) target_semaphore(%arg10 : memref<!tpu.dma_semaphore, #tpu.memory_space<semaphore_mem>>)
    %scan3A = arith.constant 0 : i32
    %scan3A_8 = arith.constant 0 : i32
    %scan3A_9 = arith.constant 8 : i32
    %scan3A_10 = arith.addi %scan3A_8, %scan3A_9 : i32
    %scan3A_11 = arith.constant 1 : i32
    scf.for %scan3A_28 = %scan3A_8 to %scan3A_10 step %scan3A_11  : i32 {
      %mul3A_29 = arith.constant 2 : i32
      %mul3A_30 = arith.muli %mul3A_29, %scan3A_28 : i32
      %mul3A_31 = arith.constant 32 : i32
      %mul3A_32 = arith.muli %mul3A_30, %mul3A_31 : i32
      %add3A_33 = arith.addi %mul3A_2, %mul3A_32 : i32
      %dma_wait3A_34 = arith.constant 0 : i32
      %dma_wait3A_35 = tpu.memref_slice %arg2[%add3A_33, %dma_wait3A_34] : memref<16384x50xi32, #tpu.memory_space<hbm>> -> memref<32x50xi32, #tpu.memory_space<hbm>>
      %dma_wait3A_36 = arith.constant 0 : i32
      %dma_wait3A_37 = tpu.memref_slice %arg2[%add3A_33, %dma_wait3A_36] : memref<16384x50xi32, #tpu.memory_space<hbm>> -> memref<32x50xi32, #tpu.memory_space<hbm>>
      tpu.wait_dma2 semaphore(%arg10 : memref<!tpu.dma_semaphore, #tpu.memory_space<semaphore_mem>>) src(%dma_wait3A_37 : memref<32x50xi32, #tpu.memory_space<hbm>>) dst(%arg5 : memref<32x50xi32, #tpu.memory_space<vmem>>)
      %add3A_38 = arith.constant 1 : i32
      %add3A_39 = arith.addi %mul3A_30, %add3A_38 : i32
      %lt3A = arith.constant 16 : i32
      %lt3A_40 = arith.cmpi slt, %add3A_39, %lt3A : i32
      %convert_element_type3A = arith.extui %lt3A_40 : i1 to i32
      %cond3A = arith.constant 0 : i32
      %cond3A_41 = arith.cmpi ne, %convert_element_type3A, %cond3A : i32
      scf.if %cond3A_41 {
        %add3A_117 = arith.constant 1 : i32
        %add3A_118 = arith.addi %mul3A_30, %add3A_117 : i32
        %mul3A_119 = arith.constant 32 : i32
        %mul3A_120 = arith.muli %add3A_118, %mul3A_119 : i32
        %add3A_121 = arith.addi %mul3A_2, %mul3A_120 : i32
        %dma_start3A_122 = arith.constant 0 : i32
        %dma_start3A_123 = tpu.memref_slice %arg2[%add3A_121, %dma_start3A_122] : memref<16384x50xi32, #tpu.memory_space<hbm>> -> memref<32x50xi32, #tpu.memory_space<hbm>>
        %dma_start3A_124 = arith.constant 0 : i32
        %dma_start3A_125 = tpu.memref_slice %arg2[%add3A_121, %dma_start3A_124] : memref<16384x50xi32, #tpu.memory_space<hbm>> -> memref<32x50xi32, #tpu.memory_space<hbm>>
        tpu.enqueue_dma source(%dma_start3A_125 : memref<32x50xi32, #tpu.memory_space<hbm>>) target(%arg6 : memref<32x50xi32, #tpu.memory_space<vmem>>) target_semaphore(%arg11 : memref<!tpu.dma_semaphore, #tpu.memory_space<semaphore_mem>>)
      } else {
      }
      %ge3A = arith.constant 2 : i32
      %ge3A_42 = arith.cmpi sge, %mul3A_30, %ge3A : i32
      %convert_element_type3A_43 = arith.extui %ge3A_42 : i1 to i32
      %cond3A_44 = arith.constant 0 : i32
      %cond3A_45 = arith.cmpi ne, %convert_element_type3A_43, %cond3A_44 : i32
      scf.if %cond3A_45 {
        %sub3A = arith.constant 2 : i32
        %sub3A_117 = arith.subi %mul3A_30, %sub3A : i32
        %mul3A_118 = arith.constant 32 : i32
        %mul3A_119 = arith.muli %sub3A_117, %mul3A_118 : i32
        %add3A_120 = arith.addi %mul3A_2, %mul3A_119 : i32
        %dma_wait3A_121 = arith.constant 0 : i32
        %dma_wait3A_122 = arith.constant 0 : i32
        %dma_wait3A_123 = tpu.memref_slice %arg4[%add3A_120, %dma_wait3A_121, %dma_wait3A_122] : memref<16384x50x32xf32, #tpu.memory_space<hbm>> -> memref<32x50x32xf32, #tpu.memory_space<hbm>>
        %dma_wait3A_124 = arith.constant 0 : i32
        %dma_wait3A_125 = arith.constant 0 : i32
        %dma_wait3A_126 = tpu.memref_slice %arg4[%add3A_120, %dma_wait3A_124, %dma_wait3A_125] : memref<16384x50x32xf32, #tpu.memory_space<hbm>> -> memref<32x50x32xf32, #tpu.memory_space<hbm>>
        tpu.wait_dma2 semaphore(%arg12 : memref<!tpu.dma_semaphore, #tpu.memory_space<semaphore_mem>>) src(%arg7 : memref<32x50x32xf32, #tpu.memory_space<vmem>>) dst(%dma_wait3A_126 : memref<32x50x32xf32, #tpu.memory_space<hbm>>)
      } else {
      }
      %scan3A_46 = arith.constant 0 : i32
      %scan3A_47 = arith.constant 0 : i32
      %scan3A_48 = arith.constant 32 : i32
      %scan3A_49 = arith.addi %scan3A_47, %scan3A_48 : i32
      %scan3A_50 = arith.constant 1 : i32
      scf.for %scan3A_117 = %scan3A_47 to %scan3A_49 step %scan3A_50  : i32 {
        %dma_start3A_118 = arith.constant 0 : i32
        %dma_start3A_119 = arith.constant 0 : i32
        %dma_start3A_120 = tpu.memref_slice %arg7[%scan3A_117, %dma_start3A_118, %dma_start3A_119] : memref<32x50x32xf32, #tpu.memory_space<vmem>> -> memref<1x50x32xf32, #tpu.memory_space<vmem>>
        %dma_start3A_121 = tpu.memref_squeeze %dma_start3A_120 : memref<1x50x32xf32, #tpu.memory_space<vmem>> -> memref<50x32xf32, #tpu.memory_space<vmem>>
        %dma_start3A_122 = arith.constant 0 : i32
        %dma_start3A_123 = tpu.memref_slice %arg5[%scan3A_117, %dma_start3A_122] : memref<32x50xi32, #tpu.memory_space<vmem>> -> memref<1x50xi32, #tpu.memory_space<vmem>>
        %dma_start3A_124 = tpu.memref_squeeze %dma_start3A_123 : memref<1x50xi32, #tpu.memory_space<vmem>> -> memref<50xi32, #tpu.memory_space<vmem>>
        %dma_start3A_125 = arith.constant 0 : i32
        %dma_start3A_126 = arith.constant 0 : i32
        %dma_start3A_127 = tpu.memref_slice %arg3[%dma_start3A_125, %dma_start3A_126] : memref<1000000x32xf32, #tpu.memory_space<hbm>> -> memref<1000000x32xf32, #tpu.memory_space<hbm>>
        tpu.enqueue_indirect_dma source(%dma_start3A_127 : memref<1000000x32xf32, #tpu.memory_space<hbm>>) target(%dma_start3A_121 : memref<50x32xf32, #tpu.memory_space<vmem>>) offsets(%dma_start3A_124 : memref<50xi32, #tpu.memory_space<vmem>>) semaphore(%arg9 : memref<!tpu.dma_semaphore, #tpu.memory_space<semaphore_mem>>)
      }
      %scan3A_51 = arith.constant 32 : i32
      %mul3A_52 = arith.constant 32 : i32
      %mul3A_53 = arith.muli %mul3A_30, %mul3A_52 : i32
      %add3A_54 = arith.addi %mul3A_2, %mul3A_53 : i32
      %dma_wait3A_55 = arith.constant 0 : i32
      %dma_wait3A_56 = arith.constant 0 : i32
      %dma_wait3A_57 = tpu.memref_slice %arg4[%add3A_54, %dma_wait3A_55, %dma_wait3A_56] : memref<16384x50x32xf32, #tpu.memory_space<hbm>> -> memref<32x50x32xf32, #tpu.memory_space<hbm>>
      %dma_wait3A_58 = arith.constant 0 : i32
      %dma_wait3A_59 = arith.constant 0 : i32
      %dma_wait3A_60 = tpu.memref_slice %arg4[%add3A_54, %dma_wait3A_58, %dma_wait3A_59] : memref<16384x50x32xf32, #tpu.memory_space<hbm>> -> memref<32x50x32xf32, #tpu.memory_space<hbm>>
      tpu.wait_dma2 semaphore(%arg9 : memref<!tpu.dma_semaphore, #tpu.memory_space<semaphore_mem>>) src(%dma_wait3A_60 : memref<32x50x32xf32, #tpu.memory_space<hbm>>) dst(%arg7 : memref<32x50x32xf32, #tpu.memory_space<vmem>>)
      %mul3A_61 = arith.constant 32 : i32
      %mul3A_62 = arith.muli %mul3A_30, %mul3A_61 : i32
      %add3A_63 = arith.addi %mul3A_2, %mul3A_62 : i32
      %dma_start3A_64 = arith.constant 0 : i32
      %dma_start3A_65 = arith.constant 0 : i32
      %dma_start3A_66 = tpu.memref_slice %arg4[%add3A_63, %dma_start3A_64, %dma_start3A_65] : memref<16384x50x32xf32, #tpu.memory_space<hbm>> -> memref<32x50x32xf32, #tpu.memory_space<hbm>>
      %dma_start3A_67 = arith.constant 0 : i32
      %dma_start3A_68 = arith.constant 0 : i32
      %dma_start3A_69 = tpu.memref_slice %arg4[%add3A_63, %dma_start3A_67, %dma_start3A_68] : memref<16384x50x32xf32, #tpu.memory_space<hbm>> -> memref<32x50x32xf32, #tpu.memory_space<hbm>>
      tpu.enqueue_dma source(%arg7 : memref<32x50x32xf32, #tpu.memory_space<vmem>>) target(%dma_start3A_69 : memref<32x50x32xf32, #tpu.memory_space<hbm>>) target_semaphore(%arg12 : memref<!tpu.dma_semaphore, #tpu.memory_space<semaphore_mem>>)
      %mul3A_70 = arith.constant 2 : i32
      %mul3A_71 = arith.muli %mul3A_70, %scan3A_28 : i32
      %add3A_72 = arith.constant 1 : i32
      %add3A_73 = arith.addi %mul3A_71, %add3A_72 : i32
      %mul3A_74 = arith.constant 32 : i32
      %mul3A_75 = arith.muli %add3A_73, %mul3A_74 : i32
      %add3A_76 = arith.addi %mul3A_2, %mul3A_75 : i32
      %dma_wait3A_77 = arith.constant 0 : i32
      %dma_wait3A_78 = tpu.memref_slice %arg2[%add3A_76, %dma_wait3A_77] : memref<16384x50xi32, #tpu.memory_space<hbm>> -> memref<32x50xi32, #tpu.memory_space<hbm>>
      %dma_wait3A_79 = arith.constant 0 : i32
      %dma_wait3A_80 = tpu.memref_slice %arg2[%add3A_76, %dma_wait3A_79] : memref<16384x50xi32, #tpu.memory_space<hbm>> -> memref<32x50xi32, #tpu.memory_space<hbm>>
      tpu.wait_dma2 semaphore(%arg11 : memref<!tpu.dma_semaphore, #tpu.memory_space<semaphore_mem>>) src(%dma_wait3A_80 : memref<32x50xi32, #tpu.memory_space<hbm>>) dst(%arg6 : memref<32x50xi32, #tpu.memory_space<vmem>>)
      %add3A_81 = arith.constant 1 : i32
      %add3A_82 = arith.addi %add3A_73, %add3A_81 : i32
      %lt3A_83 = arith.constant 16 : i32
      %lt3A_84 = arith.cmpi slt, %add3A_82, %lt3A_83 : i32
      %convert_element_type3A_85 = arith.extui %lt3A_84 : i1 to i32
      %cond3A_86 = arith.constant 0 : i32
      %cond3A_87 = arith.cmpi ne, %convert_element_type3A_85, %cond3A_86 : i32
      scf.if %cond3A_87 {
        %add3A_117 = arith.constant 1 : i32
        %add3A_118 = arith.addi %add3A_73, %add3A_117 : i32
        %mul3A_119 = arith.constant 32 : i32
        %mul3A_120 = arith.muli %add3A_118, %mul3A_119 : i32
        %add3A_121 = arith.addi %mul3A_2, %mul3A_120 : i32
        %dma_start3A_122 = arith.constant 0 : i32
        %dma_start3A_123 = tpu.memref_slice %arg2[%add3A_121, %dma_start3A_122] : memref<16384x50xi32, #tpu.memory_space<hbm>> -> memref<32x50xi32, #tpu.memory_space<hbm>>
        %dma_start3A_124 = arith.constant 0 : i32
        %dma_start3A_125 = tpu.memref_slice %arg2[%add3A_121, %dma_start3A_124] : memref<16384x50xi32, #tpu.memory_space<hbm>> -> memref<32x50xi32, #tpu.memory_space<hbm>>
        tpu.enqueue_dma source(%dma_start3A_125 : memref<32x50xi32, #tpu.memory_space<hbm>>) target(%arg5 : memref<32x50xi32, #tpu.memory_space<vmem>>) target_semaphore(%arg10 : memref<!tpu.dma_semaphore, #tpu.memory_space<semaphore_mem>>)
      } else {
      }
      %ge3A_88 = arith.constant 2 : i32
      %ge3A_89 = arith.cmpi sge, %add3A_73, %ge3A_88 : i32
      %convert_element_type3A_90 = arith.extui %ge3A_89 : i1 to i32
      %cond3A_91 = arith.constant 0 : i32
      %cond3A_92 = arith.cmpi ne, %convert_element_type3A_90, %cond3A_91 : i32
      scf.if %cond3A_92 {
        %sub3A = arith.constant 2 : i32
        %sub3A_117 = arith.subi %add3A_73, %sub3A : i32
        %mul3A_118 = arith.constant 32 : i32
        %mul3A_119 = arith.muli %sub3A_117, %mul3A_118 : i32
        %add3A_120 = arith.addi %mul3A_2, %mul3A_119 : i32
        %dma_wait3A_121 = arith.constant 0 : i32
        %dma_wait3A_122 = arith.constant 0 : i32
        %dma_wait3A_123 = tpu.memref_slice %arg4[%add3A_120, %dma_wait3A_121, %dma_wait3A_122] : memref<16384x50x32xf32, #tpu.memory_space<hbm>> -> memref<32x50x32xf32, #tpu.memory_space<hbm>>
        %dma_wait3A_124 = arith.constant 0 : i32
        %dma_wait3A_125 = arith.constant 0 : i32
        %dma_wait3A_126 = tpu.memref_slice %arg4[%add3A_120, %dma_wait3A_124, %dma_wait3A_125] : memref<16384x50x32xf32, #tpu.memory_space<hbm>> -> memref<32x50x32xf32, #tpu.memory_space<hbm>>
        tpu.wait_dma2 semaphore(%arg13 : memref<!tpu.dma_semaphore, #tpu.memory_space<semaphore_mem>>) src(%arg8 : memref<32x50x32xf32, #tpu.memory_space<vmem>>) dst(%dma_wait3A_126 : memref<32x50x32xf32, #tpu.memory_space<hbm>>)
      } else {
      }
      %scan3A_93 = arith.constant 0 : i32
      %scan3A_94 = arith.constant 0 : i32
      %scan3A_95 = arith.constant 32 : i32
      %scan3A_96 = arith.addi %scan3A_94, %scan3A_95 : i32
      %scan3A_97 = arith.constant 1 : i32
      scf.for %scan3A_117 = %scan3A_94 to %scan3A_96 step %scan3A_97  : i32 {
        %dma_start3A_118 = arith.constant 0 : i32
        %dma_start3A_119 = arith.constant 0 : i32
        %dma_start3A_120 = tpu.memref_slice %arg8[%scan3A_117, %dma_start3A_118, %dma_start3A_119] : memref<32x50x32xf32, #tpu.memory_space<vmem>> -> memref<1x50x32xf32, #tpu.memory_space<vmem>>
        %dma_start3A_121 = tpu.memref_squeeze %dma_start3A_120 : memref<1x50x32xf32, #tpu.memory_space<vmem>> -> memref<50x32xf32, #tpu.memory_space<vmem>>
        %dma_start3A_122 = arith.constant 0 : i32
        %dma_start3A_123 = tpu.memref_slice %arg6[%scan3A_117, %dma_start3A_122] : memref<32x50xi32, #tpu.memory_space<vmem>> -> memref<1x50xi32, #tpu.memory_space<vmem>>
        %dma_start3A_124 = tpu.memref_squeeze %dma_start3A_123 : memref<1x50xi32, #tpu.memory_space<vmem>> -> memref<50xi32, #tpu.memory_space<vmem>>
        %dma_start3A_125 = arith.constant 0 : i32
        %dma_start3A_126 = arith.constant 0 : i32
        %dma_start3A_127 = tpu.memref_slice %arg3[%dma_start3A_125, %dma_start3A_126] : memref<1000000x32xf32, #tpu.memory_space<hbm>> -> memref<1000000x32xf32, #tpu.memory_space<hbm>>
        tpu.enqueue_indirect_dma source(%dma_start3A_127 : memref<1000000x32xf32, #tpu.memory_space<hbm>>) target(%dma_start3A_121 : memref<50x32xf32, #tpu.memory_space<vmem>>) offsets(%dma_start3A_124 : memref<50xi32, #tpu.memory_space<vmem>>) semaphore(%arg9 : memref<!tpu.dma_semaphore, #tpu.memory_space<semaphore_mem>>)
      }
      %scan3A_98 = arith.constant 32 : i32
      %mul3A_99 = arith.constant 32 : i32
      %mul3A_100 = arith.muli %add3A_73, %mul3A_99 : i32
      %add3A_101 = arith.addi %mul3A_2, %mul3A_100 : i32
      %dma_wait3A_102 = arith.constant 0 : i32
      %dma_wait3A_103 = arith.constant 0 : i32
      %dma_wait3A_104 = tpu.memref_slice %arg4[%add3A_101, %dma_wait3A_102, %dma_wait3A_103] : memref<16384x50x32xf32, #tpu.memory_space<hbm>> -> memref<32x50x32xf32, #tpu.memory_space<hbm>>
      %dma_wait3A_105 = arith.constant 0 : i32
      %dma_wait3A_106 = arith.constant 0 : i32
      %dma_wait3A_107 = tpu.memref_slice %arg4[%add3A_101, %dma_wait3A_105, %dma_wait3A_106] : memref<16384x50x32xf32, #tpu.memory_space<hbm>> -> memref<32x50x32xf32, #tpu.memory_space<hbm>>
      tpu.wait_dma2 semaphore(%arg9 : memref<!tpu.dma_semaphore, #tpu.memory_space<semaphore_mem>>) src(%dma_wait3A_107 : memref<32x50x32xf32, #tpu.memory_space<hbm>>) dst(%arg8 : memref<32x50x32xf32, #tpu.memory_space<vmem>>)
      %mul3A_108 = arith.constant 32 : i32
      %mul3A_109 = arith.muli %add3A_73, %mul3A_108 : i32
      %add3A_110 = arith.addi %mul3A_2, %mul3A_109 : i32
      %dma_start3A_111 = arith.constant 0 : i32
      %dma_start3A_112 = arith.constant 0 : i32
      %dma_start3A_113 = tpu.memref_slice %arg4[%add3A_110, %dma_start3A_111, %dma_start3A_112] : memref<16384x50x32xf32, #tpu.memory_space<hbm>> -> memref<32x50x32xf32, #tpu.memory_space<hbm>>
      %dma_start3A_114 = arith.constant 0 : i32
      %dma_start3A_115 = arith.constant 0 : i32
      %dma_start3A_116 = tpu.memref_slice %arg4[%add3A_110, %dma_start3A_114, %dma_start3A_115] : memref<16384x50x32xf32, #tpu.memory_space<hbm>> -> memref<32x50x32xf32, #tpu.memory_space<hbm>>
      tpu.enqueue_dma source(%arg8 : memref<32x50x32xf32, #tpu.memory_space<vmem>>) target(%dma_start3A_116 : memref<32x50x32xf32, #tpu.memory_space<hbm>>) target_semaphore(%arg13 : memref<!tpu.dma_semaphore, #tpu.memory_space<semaphore_mem>>)
    }
    %scan3A_12 = arith.constant 8 : i32
    %add3A_13 = arith.constant 448 : i32
    %add3A_14 = arith.addi %mul3A_2, %add3A_13 : i32
    %dma_wait3A = arith.constant 0 : i32
    %dma_wait3A_15 = arith.constant 0 : i32
    %dma_wait3A_16 = tpu.memref_slice %arg4[%add3A_14, %dma_wait3A, %dma_wait3A_15] : memref<16384x50x32xf32, #tpu.memory_space<hbm>> -> memref<32x50x32xf32, #tpu.memory_space<hbm>>
    %dma_wait3A_17 = arith.constant 0 : i32
    %dma_wait3A_18 = arith.constant 0 : i32
    %dma_wait3A_19 = tpu.memref_slice %arg4[%add3A_14, %dma_wait3A_17, %dma_wait3A_18] : memref<16384x50x32xf32, #tpu.memory_space<hbm>> -> memref<32x50x32xf32, #tpu.memory_space<hbm>>
    tpu.wait_dma2 semaphore(%arg12 : memref<!tpu.dma_semaphore, #tpu.memory_space<semaphore_mem>>) src(%arg7 : memref<32x50x32xf32, #tpu.memory_space<vmem>>) dst(%dma_wait3A_19 : memref<32x50x32xf32, #tpu.memory_space<hbm>>)
    %add3A_20 = arith.constant 480 : i32
    %add3A_21 = arith.addi %mul3A_2, %add3A_20 : i32
    %dma_wait3A_22 = arith.constant 0 : i32
    %dma_wait3A_23 = arith.constant 0 : i32
    %dma_wait3A_24 = tpu.memref_slice %arg4[%add3A_21, %dma_wait3A_22, %dma_wait3A_23] : memref<16384x50x32xf32, #tpu.memory_space<hbm>> -> memref<32x50x32xf32, #tpu.memory_space<hbm>>
    %dma_wait3A_25 = arith.constant 0 : i32
    %dma_wait3A_26 = arith.constant 0 : i32
    %dma_wait3A_27 = tpu.memref_slice %arg4[%add3A_21, %dma_wait3A_25, %dma_wait3A_26] : memref<16384x50x32xf32, #tpu.memory_space<hbm>> -> memref<32x50x32xf32, #tpu.memory_space<hbm>>
    tpu.wait_dma2 semaphore(%arg13 : memref<!tpu.dma_semaphore, #tpu.memory_space<semaphore_mem>>) src(%arg8 : memref<32x50x32xf32, #tpu.memory_space<vmem>>) dst(%dma_wait3A_27 : memref<32x50x32xf32, #tpu.memory_space<hbm>>)
    return
  }
}

</mosaic_0001>

<sc_bundles>
// kernel: kernel.3.cloned.1.call-start
scs
__scs_entry_jumppad:
0x0: {  	(pc) =	sbr.rel $0x88, $3  }
0x1: {  	(tag) =	ssettag $0x0;
	lr =	simm.s32 $0x1  }
0x2: {  	[smem:$0x3F9F] =	sst lr;
	_ =	strace $0xD0000000  }
0x3: {  	_ = 	snop  }
0x4: {  	_ = 	snop  }
0x5: {  	_ = 	snop  }
0x6: {  	_ = 	snop  }
0x7: {  	_ = 	snop  }
__scs_overlays_trampoline_lowered:
0x8: {  	[smem:$0x3FAE] =	sst s0  }
0x9: {  	[smem:$0x3FAF] =	sst s1  }
0xa: {  	[smem:$0x3FB0] =	sst s2  }
0xb: {  	[smem:$0x3FB1] =	sst s3  }
0xc: {  	[smem:$0x3FB2] =	sst s4  }
0xd: {  	[smem:$0x3FB3] =	sst s5  }
0xe: {  	[smem:$0x3FB4] =	sst s6  }
0xf: {  	[smem:$0x3FB5] =	sst s7  }
0x10: {  	[smem:$0x3FB6] =	sst s8  }
0x11: {  	[smem:$0x3FB7] =	sst s9;
	s0 =	simm.s32 @!p0 $0x0  }
0x12: {  	s1 =	sld [smem:$0x3F9D];
	s0 =	simm.s32 @p0 $0x1  }
0x13: {  	[smem:$0x3FB8] =	sst s0;
	s0 =	simm.s32 @!p1 $0x0  }
0x14: {  	s2 =	sld [smem:$0x3F9C];
	s0 =	simm.s32 @p1 $0x1  }
0x15: {  	[smem:$0x3FB9] =	sst s0;
	s0 =	simm.s32 @!p2 $0x0  }
0x16: {  	s3 =	sld [smem:$0x3FDB];
	s0 =	simm.s32 @p2 $0x1  }
0x17: {  	s4 =	simm.s32 $0x1BF5;
	[smem:$0x3FBB] =	sst s0  }
0x18: {  	s0 =	sld [smem:$0x3F9E];
	_ =	swait.ge [sflag:s4], $0x0  }
0x19: {  	s7 =	sld [smem:$0x3F9F]  }
0x1a: {  	s8 =	sadd.s32 $0xFFFFE003, lr  }
0x1b: {  	s9 =	sadd.s32 $0xFFFFFEF7, lr;
	s5 =	simm.s32 $0xFFFFFFFF;
	p2 =	slt.u32 s8, $0xFFFFF086  }
0x1c: {  	p1 =	slt.u32 s9, $0xF7A;
	s5 =	simm.s32 @!p2 $0x0  }
0x1d: {  	s5 =	simm.s32 @p1 $0x1;
	p0 =	seq.s32 s7, s2  }
0x1e: {  	s7 =	smul.u32 @!p0 $0xF7A, s2;
	p2 =	seq.s32 @!p0 s5, $0x0  }
0x1f: {  	s9 =	smul.u32 $0xF7A, s1;
	s8 =	simm.s32 @!p0 $0x1BF5;
	p2 =	por !p2, p0  }
0x20: {  	[sflag:s8] =	ssyncset.s32 @!p0 $0xFFFFF086;
	s6 =	sadd.s32 @!p0 s3, s7;
	s7 =	simm.s32 @!p0 $0x108  }
0x21: {  	s3 =	sadd.s32 s3, s9;
	s6 =	sadd.s32 @!p0 $0x88, s6;
	s7 =	simm.s32 @p2 $0x1082  }
0x22: {  	[simem:s7], [sflag:s8] =	dma.local @!p0 [hbm:s6], $0xF7A  }
0x23: {  	s9 =	sor.u32 $0xD0000000, s2;
	s6 =	simm.s32 $0x108;
	_ =	swait.ge @!p0 [sflag:s8], $0x0  }
0x24: {  	s3 =	sadd.s32 $0x88, s3;
	s6 =	simm.s32 @!p1 $0x1082;
	[sflag:s4] =	ssyncset.s32 $0xFFFFF086  }
0x25: {  	[simem:s6], [sflag:s4] =	dma.local [hbm:s3], $0xF7A  }
0x26: {  	[smem:$0x3F9F] =	sst s1;
	(tag) =	ssettag s2;
	_ =	strace s9  }
0x27: {  	s1 =	sld [smem:$0x3FAF]  }
0x28: {  	s2 =	sld [smem:$0x3FB0]  }
0x29: {  	s4 =	sld [smem:$0x3FB2]  }
0x2a: {  	p0 =	seq.s32 s5, $0x0;
	s5 =	sld [smem:$0x3FB3]  }
0x2b: {  	s6 =	sld [smem:$0x3FB4]  }
0x2c: {  	s7 =	sld [smem:$0x3FB5]  }
0x2d: {  	s3 =	simm.s32 $0x108;
	s8 =	sld [smem:$0x3FB6]  }
0x2e: {  	s3 =	simm.s32 @!p0 $0x1082;
	s9 =	sld [smem:$0x3FB7]  }
0x2f: {  	lr =	sadd.s32 s0, s3;
	s0 =	sld [smem:$0x3FAE]  }
0x30: {  	s3 =	sld [smem:$0x3FB1]  }
0x31: {  	[smem:$0x3FBA] =	sst s10  }
0x32: {  	s10 =	sld [smem:$0x3FB8];
	_ =	sdelay $0x3  }
0x33: {  	p0 =	seq.s32 s10, $0x1;
	s10 =	sld [smem:$0x3FBA];
	_ =	sdelay $0x3  }
0x34: {  	[smem:$0x3FBA] =	sst s10  }
0x35: {  	s10 =	sld [smem:$0x3FB9];
	_ =	sdelay $0x3  }
0x36: {  	p1 =	seq.s32 s10, $0x1;
	s10 =	sld [smem:$0x3FBA];
	_ =	sdelay $0x3  }
0x37: {  	[smem:$0x3FBA] =	sst s10  }
0x38: {  	s10 =	sld [smem:$0x3FBB]  }
0x39: {  	_ = 	snop;
	(pc) =	sbr.ind lr, $3  }
0x3a: {  	_ = 	snop  }
0x3b: {  	_ = 	snop  }
0x3c: {  	p2 =	seq.s32 s10, $0x1;
	s10 =	sld [smem:$0x3FBA]  }
0x3d: {  	_ =	shalt  }
0x3e: {  	_ =	shalt  }
0x3f: {  	_ =	shalt  }
0x40: {  	_ =	shalt  }
0x41: {  	_ =	shalt  }
0x42: {  	_ =	shalt  }
0x43: {  	_ =	shalt  }
0x44: {  	_ =	shalt  }
0x45: {  	_ =	shalt  }
0x46: {  	_ =	shalt  }
0x47: {  	_ =	shalt  }
0x48: {  	_ =	shalt  }
0x49: {  	_ =	shalt  }
0x4a: {  	_ =	shalt  }
0x4b: {  	_ =	shalt  }
0x4c: {  	_ =	shalt  }
0x4d: {  	_ =	shalt  }
0x4e: {  	_ =	shalt  }
0x4f: {  	_ =	shalt  }
0x50: {  	_ =	shalt  }
0x51: {  	_ =	shalt  }
0x52: {  	_ =	shalt  }
0x53: {  	_ =	shalt  }
0x54: {  	_ =	shalt  }
0x55: {  	_ =	shalt  }
0x56: {  	_ =	shalt  }
0x57: {  	_ =	shalt  }
0x58: {  	_ =	shalt  }
0x59: {  	_ =	shalt  }
0x5a: {  	_ =	shalt  }
0x5b: {  	_ =	shalt  }
0x5c: {  	_ =	shalt  }
0x5d: {  	_ =	shalt  }
0x5e: {  	_ =	shalt  }
0x5f: {  	_ =	shalt  }
0x60: {  	_ =	shalt  }
0x61: {  	_ =	shalt  }
0x62: {  	_ =	shalt  }
0x63: {  	_ =	shalt  }
0x64: {  	_ =	shalt  }
0x65: {  	_ =	shalt  }
0x66: {  	_ =	shalt  }
0x67: {  	_ =	shalt  }
0x68: {  	_ =	shalt  }
0x69: {  	_ =	shalt  }
0x6a: {  	_ =	shalt  }
0x6b: {  	_ =	shalt  }
0x6c: {  	_ =	shalt  }
0x6d: {  	_ =	shalt  }
0x6e: {  	_ =	shalt  }
0x6f: {  	_ =	shalt  }
0x70: {  	_ =	shalt  }
0x71: {  	_ =	shalt  }
0x72: {  	_ =	shalt  }
0x73: {  	_ =	shalt  }
0x74: {  	_ =	shalt  }
0x75: {  	_ =	shalt  }
0x76: {  	_ =	shalt  }
0x77: {  	_ =	shalt  }
0x78: {  	_ =	shalt  }
0x79: {  	_ =	shalt  }
0x7a: {  	_ =	shalt  }
0x7b: {  	_ =	shalt  }
0x7c: {  	_ =	shalt  }
0x7d: {  	_ =	shalt  }
0x7e: {  	_ =	shalt  }
0x7f: {  	_ =	shalt  }
0x80: {  	_ =	shalt  }
0x81: {  	_ =	shalt  }
0x82: {  	_ =	shalt  }
0x83: {  	_ =	shalt  }
0x84: {  	_ =	shalt  }
0x85: {  	_ =	shalt  }
0x86: {  	_ =	shalt  }
0x87: {  	_ =	shalt  }
.Lfunc_end0:
.L_simem_size_0:
called_computation.1_lowered:
.L_overlay_start_0:
0x88: {  	s2 =	sld [smem:$0x3FD9]  }
0x89: {  	s3 =	sld [smem:$0x3FFE];
	_ =	sdelay $0x1  }
0x8a: {  	s1 =	srdreg.scid  }
0x8b: {  	s0 =	sand.u32 $0x1, s1  }
0x8c: {  	s17 =	sshll.u32 s0, $0xA;
	s2 =	sadd.s32 s3, s2  }
0x8d: {  	s2 =	sadd.s32 s2, s17  }
0x8e: {  	[smem:$0x3FC6] =	sst s2  }
0x8f: {  	_ = 	snop  }
0x90: {  	s2 =	sld [smem:$0x3FD0];
	(tm) =	ssettm $0x1  }
0x91: {  	s18 =	sld [smem:$0x3FFB];
	_ =	sdelay $0x3  }
0x92: {  	_ =	strace s18  }
0x93: {  	s3 =	sld [smem:$0x3FFC];
	_ =	sdelay $0x3  }
0x94: {  	_ =	strace s3  }
0x95: {  	s3 =	sld [smem:$0x3FFD];
	_ =	sdelay $0x3  }
0x96: {  	_ =	strace s3  }
0x97: {  	_ =	strace $0x8FFFFFFF  }
0x98: {  	s19 =	sld [smem:$0x3FDB];
	_ =	sdelay $0x1  }
0x99: {  	s4 =	simm.s32 $_scs_section_size  }
0x9a: {  	s5 =	simm.s32 $_size__tile_overlayer_lowered;
	s6 =	simm.s32 $_tile_overlayer_lowered  }
0x9b: {  	s22 =	simm.s32 $0x1BFF;
	s21 =	sshll.u32 s6, $0x1;
	s3 =	sadd.s32 s4, s19  }
0x9c: {  	s7 =	simm.s32 $0x0;
	s20 =	sshll.u32 s5, $0x1;
	s5 =	sadd.s32 s21, s3  }
0x9d: {  	[timem:s7], [sflag:s22] =	dma.local [hbm:s5], s20  }
0x9e: {  	_ =	swait.ge [sflag:s22], s20  }
0x9f: {  	s4 =	ssub.s32 $0x0, s20;
	[sflag:s22] =	ssyncset.done $0x0  }
0xa0: {  	[sflag:s22] =	ssyncadd.s32 s4;
	_ =	sdelay $0x1  }
0xa1: {  	s23 =	simm.s32 $0x1B8B  }
0xa2: {  	_ =	swait.ge [sflag:s23], $0x1  }
0xa3: {  	[sflag:s23] =	ssyncset.done $0x0  }
0xa4: {  	s25 =	simm.s32 $0x1B8E;
	s24 =	sld [smem:$0x3FFE];
	[sflag:s23] =	ssyncadd.s32 $0xFFFFFFFF  }
0xa5: {  	s26 =	simm.s32 $execute0_lowered;
	[smem:$0x3FD2] =	sst s25  }
0xa6: {  	s5 =	sshll.u32 s26, $0x1;
	_ =	strace $0x80000046;
	[dreg:$0x1] =	wrdreg $0xFFFFFFFF  }
0xa7: {  	s28 =	simm.s32 $_size_execute0_lowered;
	s3 =	sadd.s32 s3, s5;
	[dreg:$0x0] =	wrdreg $0x0  }
0xa8: {  	s5 =	sshll.u32 s28, $0x1;
	[dreg:$0x2] =	wrdreg s3  }
0xa9: {  	[dreg:$0x3] =	wrdreg s5  }
0xaa: {  	[dreg:$0x4] =	wrdreg $0xC0  }
0xab: {  	_ =	task [dreg:s7], $0x5FFFF  }
0xac: {  	[dreg:$0x1] =	wrdreg $0xFFFFFFFF  }
0xad: {  	[dreg:$0x0] =	wrdreg $0x60  }
0xae: {  	[dreg:$0x2] =	wrdreg s24  }
0xaf: {  	[dreg:$0x3] =	wrdreg s2  }
0xb0: {  	[dreg:$0x4] =	wrdreg $0x9  }
0xb1: {  	_ =	task.clear_ibuf [dreg:s7], $0x5FFFF;
	_ =	strace $0x90000046  }
0xb2: {  	s29 =	simm.s32 $0x9;
	_ =	strace $0x80000048  }
0xb3: {  	_ =	swait.ge [sflag:s29], $0x1  }
0xb4: {  	[sflag:s29] =	ssyncadd.s32 $0xFFFFFFFF  }
0xb5: {  	_ =	strace $0x90000048  }
0xb6: {  	_ =	sfence  }
0xb7: {  	s30 =	sld [smem:$0x0];
	_ =	sdelay $0x2  }
0xb8: {  	s31 =	sshll.u32 s1, $0xD;
	s1 =	sshrl.u32 s1, $0x2  }
0xb9: {  	s3 =	sand.u32 $0x4000, s31;
	s1 =	sadd.s32 s1, s30  }
0xba: {  	s0 =	sor.u32 s3, s0;
	s1 =	sshll.u32 s1, $0x11  }
0xbb: {  	s0 =	sor.u32 s1, s0  }
0xbc: {  	s0 =	sadd.s32 $0x8F2B, s0  }
0xbd: {  	[sflag:s0] =	ssyncadd.remote.s32 $0x1  }
0xbe: {  	_ =	sfence.sel $0xFFFF  }
0xbf: {  	[dreg:$0x0] =	wrdreg $0xFFFFFFFF;
	(pc) =	sbr.abs _section_cstart, $3  }
0xc0: {  	[dreg:$0x1] =	wrdreg $0xFFFFFFFF  }
0xc1: {  	_ =	task.clear_ibuf [dreg:s7], $0x2FFFF;
	_ =	strace $0x9FFFFFFF  }
0xc2: {  	(tm) =	ssettm $0x7FFFFFFF  }
0xc3: {  	_ =	shalt  }
tec
execute0_lowered:
.L_overlay_start_1:
0x0: {  	(tag) =	ssettag $0x1  }
0x1: {  	s0 =	srdreg.scid;
	s1 =	rddreg [dreg:$0x0]  }
0x2: {  	s11 =	stileid.u32;
	s4 =	rddreg [dreg:$0x1]  }
0x3: {  	s26 =	simm.s32 $0x1;
	s28 =	simm.s32 $0x3;
	s29 =	simm.s32 $0xD600  }
0x4: {  	s12 =	simm.s32 $0x17240;
	s13 =	simm.s32 $0xCB0;
	s14 =	simm.s32 $0x17880  }
0x5: {  	s15 =	simm.s32 $0xCE8;
	s16 =	simm.s32 $0x17EC0;
	s17 =	simm.s32 $0xD20  }
0x6: {  	s18 =	simm.s32 $0x18500;
	s19 =	simm.s32 $0xD58;
	s20 =	simm.s32 $0x18B40  }
0x7: {  	s21 =	simm.s32 $0xD90;
	s22 =	simm.s32 $0x19180;
	s23 =	simm.s32 $0xDC8  }
0x8: {  	s24 =	simm.s32 $0x197C0;
	s25 =	simm.s32 $0x5;
	s6 =	smul.u32 $0x32000, s11  }
0x9: {  	s0 =	sand.u32 $0x1, s0;
	s2 =	sshll.u32 s11, $0xA;
	s11 =	smul.u32 $0x1C00, s11  }
0xa: {  	s9 =	sadd.s32 $0xA00, s1;
	s3 =	sshll.u32 s0, $0x9;
	s8 =	smul.u32 $0x19000, s0  }
0xb: {  	s7 =	ssub.s32 $0x2, s0;
	s0 =	smul.u32 $0xE00, s0;
	s3 =	sor.u32 s3, s2  }
0xc: {  	s2 =	simm.s32 $0x0;
	s10 =	sshrl.u32 s7, $0x1;
	s4 =	sadd.s32 s6, s4  }
0xd: {  	s31 =	sadd.s32 s11, s9;
	s11 =	simm.s32 $0xE00;
	s5 =	smul.u32 $0x7, s3  }
0xe: {  	[smem:$0x7FF] =	sst s2;
	s3 =	sadd.s32 $0xF42E00, s1;
	s30 =	ssub.s32 s7, s10  }
0xf: {  	s6 =	sadd.s32 s8, s4;
	s0 =	sadd.s32 s0, s31;
	s8 =	simm.s32 $0x2  }
0x10: {  	s10 =	simm.s32 $0x32;
	s7 =	simm.s32 $0xC78;
	s1 =	smax.u32 s30, $0x1  }
0x11: {  	_ =	strace $0x80000047;
	s0 =	sadd.s32 $0x1C0, s0;
	[dreg:$0x4] =	wrdreg s1  }
0x12: {  	s5 =	sadd.s32 s9, s5;
	[dreg:$0x5] =	wrdreg s0;
	s9 =	simm.s32 $0x700  }
0x13: {  	s1 =	simm.s32 $0x0;
	[dreg:$0x3] =	wrdreg s5;
	s5 =	simm.s32 $0x16C00  }
.LBB2_1:
0x14: {  	[dreg:$0x6] =	wrdreg s1  }
0x15: {  	s0 =	rddreg [dreg:$0x3]  }
0x16: {  	s30 =	rddreg [dreg:$0x5];
	s31 =	simm.s32 $0x0  }
0x17: {  	[tilespmem:s2], [sflag:$0x2] =	stream.linear.gather [hbm4b:s0+s2], $0x700, $0x38;
	[tilespmem:$0x19E00] =	vst v63  }
.LBB2_2:
0x18: {  	_ =	swait.ge [sflag:s8], $0x700  }
0x19: {  	[sflag:s8] =	ssyncset.done $0x0  }
0x1a: {  	s1 =	sadd.s32 $0xFFFFFF20, s30;
	p0 =	seq.s32 s31, $0x0;
	[sflag:s8] =	ssyncadd.s32 $0xFFFFF900  }
0x1b: {  	[tilespmem:s9], [sflag:$0x3] =	stream.linear.gather [hbm4b:s1+s2], $0x700, $0x38;
	[tilespmem:$0x19E00] =	vst v63  }
0x1c: {  	s1 =	simm.s32 @!p0 $0x4  }
0x1d: {  	_ =	swait.ge @!p0 [sflag:s1], $0xC800  }
0x1e: {  	[sflag:s1] =	ssyncset.done @!p0 $0x0  }
0x1f: {  	[sflag:s1] =	ssyncadd.s32 @!p0 $0xFFFF3800  }
0x20: {  	[tilespmem:s11], [sflag:$0x1] =	stream.indirect.gather [hbm4b:s3+s10], $0x20, s2, s10, $0xb8;
	[tilespmem:$0x19E00] =	vst v63  }
0x21: {  	s0 =	simm.s32 $0x38;
	s4 =	simm.s32 $0x1440  }
0x22: {  	[tilespmem:s4], [sflag:$0x1] =	stream.indirect.gather [hbm4b:s3+s10], $0x20, s0, s10, $0xb8;
	[tilespmem:$0x19E00] =	vst v63  }
0x23: {  	s1 =	simm.s32 $0x70;
	s4 =	simm.s32 $0x1A80  }
0x24: {  	[tilespmem:s4], [sflag:$0x1] =	stream.indirect.gather [hbm4b:s3+s10], $0x20, s1, s10, $0xb8;
	[tilespmem:$0x19E00] =	vst v63  }
0x25: {  	s1 =	simm.s32 $0xA8;
	s4 =	simm.s32 $0x20C0  }
0x26: {  	[tilespmem:s4], [sflag:$0x1] =	stream.indirect.gather [hbm4b:s3+s10], $0x20, s1, s10, $0xb8;
	[tilespmem:$0x19E00] =	vst v63  }
0x27: {  	s1 =	simm.s32 $0xE0;
	s4 =	simm.s32 $0x2700  }
0x28: {  	[tilespmem:s4], [sflag:$0x1] =	stream.indirect.gather [hbm4b:s3+s10], $0x20, s1, s10, $0xb8;
	[tilespmem:$0x19E00] =	vst v63  }
0x29: {  	s1 =	simm.s32 $0x118;
	s4 =	simm.s32 $0x2D40  }
0x2a: {  	[tilespmem:s4], [sflag:$0x1] =	stream.indirect.gather [hbm4b:s3+s10], $0x20, s1, s10, $0xb8;
	[tilespmem:$0x19E00] =	vst v63  }
0x2b: {  	s1 =	simm.s32 $0x150;
	s4 =	simm.s32 $0x3380  }
0x2c: {  	[tilespmem:s4], [sflag:$0x1] =	stream.indirect.gather [hbm4b:s3+s10], $0x20, s1, s10, $0xb8;
	[tilespmem:$0x19E00] =	vst v63  }
0x2d: {  	s1 =	simm.s32 $0x188;
	s4 =	simm.s32 $0x39C0  }
0x2e: {  	[tilespmem:s4], [sflag:$0x1] =	stream.indirect.gather [hbm4b:s3+s10], $0x20, s1, s10, $0xb8;
	[tilespmem:$0x19E00] =	vst v63  }
0x2f: {  	s1 =	simm.s32 $0x1C0;
	s4 =	simm.s32 $0x4000  }
0x30: {  	[tilespmem:s4], [sflag:$0x1] =	stream.indirect.gather [hbm4b:s3+s10], $0x20, s1, s10, $0xb8;
	[tilespmem:$0x19E00] =	vst v63  }
0x31: {  	s1 =	simm.s32 $0x1F8;
	s4 =	simm.s32 $0x4640  }
0x32: {  	[tilespmem:s4], [sflag:$0x1] =	stream.indirect.gather [hbm4b:s3+s10], $0x20, s1, s10, $0xb8;
	[tilespmem:$0x19E00] =	vst v63  }
0x33: {  	s1 =	simm.s32 $0x230;
	s4 =	simm.s32 $0x4C80  }
0x34: {  	[tilespmem:s4], [sflag:$0x1] =	stream.indirect.gather [hbm4b:s3+s10], $0x20, s1, s10, $0xb8;
	[tilespmem:$0x19E00] =	vst v63  }
0x35: {  	s1 =	simm.s32 $0x268;
	s4 =	simm.s32 $0x52C0  }
0x36: {  	[tilespmem:s4], [sflag:$0x1] =	stream.indirect.gather [hbm4b:s3+s10], $0x20, s1, s10, $0xb8;
	[tilespmem:$0x19E00] =	vst v63  }
0x37: {  	s1 =	simm.s32 $0x2A0;
	s4 =	simm.s32 $0x5900  }
0x38: {  	[tilespmem:s4], [sflag:$0x1] =	stream.indirect.gather [hbm4b:s3+s10], $0x20, s1, s10, $0xb8;
	[tilespmem:$0x19E00] =	vst v63  }
0x39: {  	s1 =	simm.s32 $0x2D8;
	s4 =	simm.s32 $0x5F40  }
0x3a: {  	[tilespmem:s4], [sflag:$0x1] =	stream.indirect.gather [hbm4b:s3+s10], $0x20, s1, s10, $0xb8;
	[tilespmem:$0x19E00] =	vst v63  }
0x3b: {  	s1 =	simm.s32 $0x310;
	s4 =	simm.s32 $0x6580  }
0x3c: {  	[tilespmem:s4], [sflag:$0x1] =	stream.indirect.gather [hbm4b:s3+s10], $0x20, s1, s10, $0xb8;
	[tilespmem:$0x19E00] =	vst v63  }
0x3d: {  	s1 =	simm.s32 $0x348;
	s4 =	simm.s32 $0x6BC0  }
0x3e: {  	[tilespmem:s4], [sflag:$0x1] =	stream.indirect.gather [hbm4b:s3+s10], $0x20, s1, s10, $0xb8;
	[tilespmem:$0x19E00] =	vst v63  }
0x3f: {  	s1 =	simm.s32 $0x380;
	s4 =	simm.s32 $0x7200  }
0x40: {  	[tilespmem:s4], [sflag:$0x1] =	stream.indirect.gather [hbm4b:s3+s10], $0x20, s1, s10, $0xb8;
	[tilespmem:$0x19E00] =	vst v63  }
0x41: {  	s1 =	simm.s32 $0x3B8;
	s4 =	simm.s32 $0x7840  }
0x42: {  	[tilespmem:s4], [sflag:$0x1] =	stream.indirect.gather [hbm4b:s3+s10], $0x20, s1, s10, $0xb8;
	[tilespmem:$0x19E00] =	vst v63  }
0x43: {  	s1 =	simm.s32 $0x3F0;
	s4 =	simm.s32 $0x7E80  }
0x44: {  	[tilespmem:s4], [sflag:$0x1] =	stream.indirect.gather [hbm4b:s3+s10], $0x20, s1, s10, $0xb8;
	[tilespmem:$0x19E00] =	vst v63  }
0x45: {  	s1 =	simm.s32 $0x428;
	s4 =	simm.s32 $0x84C0  }
0x46: {  	[tilespmem:s4], [sflag:$0x1] =	stream.indirect.gather [hbm4b:s3+s10], $0x20, s1, s10, $0xb8;
	[tilespmem:$0x19E00] =	vst v63  }
0x47: {  	s1 =	simm.s32 $0x460;
	s4 =	simm.s32 $0x8B00  }
0x48: {  	[tilespmem:s4], [sflag:$0x1] =	stream.indirect.gather [hbm4b:s3+s10], $0x20, s1, s10, $0xb8;
	[tilespmem:$0x19E00] =	vst v63  }
0x49: {  	s1 =	simm.s32 $0x498;
	s4 =	simm.s32 $0x9140  }
0x4a: {  	[tilespmem:s4], [sflag:$0x1] =	stream.indirect.gather [hbm4b:s3+s10], $0x20, s1, s10, $0xb8;
	[tilespmem:$0x19E00] =	vst v63  }
0x4b: {  	s1 =	simm.s32 $0x4D0;
	s4 =	simm.s32 $0x9780  }
0x4c: {  	[tilespmem:s4], [sflag:$0x1] =	stream.indirect.gather [hbm4b:s3+s10], $0x20, s1, s10, $0xb8;
	[tilespmem:$0x19E00] =	vst v63  }
0x4d: {  	s1 =	simm.s32 $0x508;
	s4 =	simm.s32 $0x9DC0  }
0x4e: {  	[tilespmem:s4], [sflag:$0x1] =	stream.indirect.gather [hbm4b:s3+s10], $0x20, s1, s10, $0xb8;
	[tilespmem:$0x19E00] =	vst v63  }
0x4f: {  	s1 =	simm.s32 $0x540;
	s4 =	simm.s32 $0xA400  }
0x50: {  	[tilespmem:s4], [sflag:$0x1] =	stream.indirect.gather [hbm4b:s3+s10], $0x20, s1, s10, $0xb8;
	[tilespmem:$0x19E00] =	vst v63  }
0x51: {  	s1 =	simm.s32 $0x578;
	s4 =	simm.s32 $0xAA40  }
0x52: {  	[tilespmem:s4], [sflag:$0x1] =	stream.indirect.gather [hbm4b:s3+s10], $0x20, s1, s10, $0xb8;
	[tilespmem:$0x19E00] =	vst v63  }
0x53: {  	s1 =	simm.s32 $0x5B0;
	s4 =	simm.s32 $0xB080  }
0x54: {  	[tilespmem:s4], [sflag:$0x1] =	stream.indirect.gather [hbm4b:s3+s10], $0x20, s1, s10, $0xb8;
	[tilespmem:$0x19E00] =	vst v63  }
0x55: {  	s1 =	simm.s32 $0x5E8;
	s4 =	simm.s32 $0xB6C0  }
0x56: {  	[tilespmem:s4], [sflag:$0x1] =	stream.indirect.gather [hbm4b:s3+s10], $0x20, s1, s10, $0xb8;
	[tilespmem:$0x19E00] =	vst v63  }
0x57: {  	s1 =	simm.s32 $0x620;
	s4 =	simm.s32 $0xBD00  }
0x58: {  	[tilespmem:s4], [sflag:$0x1] =	stream.indirect.gather [hbm4b:s3+s10], $0x20, s1, s10, $0xb8;
	[tilespmem:$0x19E00] =	vst v63  }
0x59: {  	s1 =	simm.s32 $0x658;
	s4 =	simm.s32 $0xC340  }
0x5a: {  	[tilespmem:s4], [sflag:$0x1] =	stream.indirect.gather [hbm4b:s3+s10], $0x20, s1, s10, $0xb8;
	[tilespmem:$0x19E00] =	vst v63  }
0x5b: {  	s1 =	simm.s32 $0x690;
	s4 =	simm.s32 $0xC980  }
0x5c: {  	[tilespmem:s4], [sflag:$0x1] =	stream.indirect.gather [hbm4b:s3+s10], $0x20, s1, s10, $0xb8;
	[tilespmem:$0x19E00] =	vst v63  }
0x5d: {  	s1 =	simm.s32 $0x6C8;
	s4 =	simm.s32 $0xCFC0  }
0x5e: {  	[tilespmem:s4], [sflag:$0x1] =	stream.indirect.gather [hbm4b:s3+s10], $0x20, s1, s10, $0xb8;
	[tilespmem:$0x19E00] =	vst v63  }
0x5f: {  	_ =	swait.ge [sflag:s26], $0xC800  }
0x60: {  	[sflag:s26] =	ssyncset.done $0x0  }
0x61: {  	s1 =	sadd.s32 s31, s6;
	[sflag:s26] =	ssyncadd.s32 $0xFFFF3800  }
0x62: {  	[hbm4b:s1+s2] =	stream.linear.scatter [tilespmem:s11], [sflag:$0x4], $0xC800, $0x38;
	[tilespmem:$0x19E00] =	vst v63  }
0x63: {  	_ =	swait.ge [sflag:s28], $0x700  }
0x64: {  	p0 =	seq.s32 s31, $0x15E00;
	[sflag:s28] =	ssyncset.done $0x0  }
0x65: {  	p1 =	seq.s32 @!p0 s31, $0x0;
	s0 =	simm.s32 @!p0 $0x0;
	[sflag:s28] =	ssyncadd.s32 $0xFFFFF900  }
0x66: {  	[tilespmem:s0], [sflag:$0x2] =	stream.linear.gather @!p0 [hbm4b:s30+s0], $0x700, $0x38;
	[tilespmem:$0x19E00] =	vst v63  }
0x67: {  	p0 =	por p0, !p1  }
0x68: {  	_ =	swait.ge @p0 [sflag:s25], $0xC800  }
0x69: {  	[sflag:s25] =	ssyncset.done @p0 $0x0  }
0x6a: {  	[sflag:s25] =	ssyncadd.s32 @p0 $0xFFFF3800  }
0x6b: {  	[tilespmem:s29], [sflag:$0x1] =	stream.indirect.gather [hbm4b:s3+s10], $0x20, s9, s10, $0xb8;
	[tilespmem:$0x19E00] =	vst v63  }
0x6c: {  	s4 =	simm.s32 $0xDC40;
	s0 =	simm.s32 $0x738  }
0x6d: {  	[tilespmem:s4], [sflag:$0x1] =	stream.indirect.gather [hbm4b:s3+s10], $0x20, s0, s10, $0xb8;
	[tilespmem:$0x19E00] =	vst v63  }
0x6e: {  	s0 =	simm.s32 $0x770;
	s4 =	simm.s32 $0xE280  }
0x6f: {  	[tilespmem:s4], [sflag:$0x1] =	stream.indirect.gather [hbm4b:s3+s10], $0x20, s0, s10, $0xb8;
	[tilespmem:$0x19E00] =	vst v63  }
0x70: {  	s0 =	simm.s32 $0x7A8;
	s4 =	simm.s32 $0xE8C0  }
0x71: {  	[tilespmem:s4], [sflag:$0x1] =	stream.indirect.gather [hbm4b:s3+s10], $0x20, s0, s10, $0xb8;
	[tilespmem:$0x19E00] =	vst v63  }
0x72: {  	s0 =	simm.s32 $0x7E0;
	s4 =	simm.s32 $0xEF00  }
0x73: {  	[tilespmem:s4], [sflag:$0x1] =	stream.indirect.gather [hbm4b:s3+s10], $0x20, s0, s10, $0xb8;
	[tilespmem:$0x19E00] =	vst v63  }
0x74: {  	s0 =	simm.s32 $0x818;
	s4 =	simm.s32 $0xF540  }
0x75: {  	[tilespmem:s4], [sflag:$0x1] =	stream.indirect.gather [hbm4b:s3+s10], $0x20, s0, s10, $0xb8;
	[tilespmem:$0x19E00] =	vst v63  }
0x76: {  	s0 =	simm.s32 $0x850;
	s4 =	simm.s32 $0xFB80  }
0x77: {  	[tilespmem:s4], [sflag:$0x1] =	stream.indirect.gather [hbm4b:s3+s10], $0x20, s0, s10, $0xb8;
	[tilespmem:$0x19E00] =	vst v63  }
0x78: {  	s0 =	simm.s32 $0x888;
	s4 =	simm.s32 $0x101C0  }
0x79: {  	[tilespmem:s4], [sflag:$0x1] =	stream.indirect.gather [hbm4b:s3+s10], $0x20, s0, s10, $0xb8;
	[tilespmem:$0x19E00] =	vst v63  }
0x7a: {  	s0 =	simm.s32 $0x8C0;
	s4 =	simm.s32 $0x10800  }
0x7b: {  	[tilespmem:s4], [sflag:$0x1] =	stream.indirect.gather [hbm4b:s3+s10], $0x20, s0, s10, $0xb8;
	[tilespmem:$0x19E00] =	vst v63  }
0x7c: {  	s0 =	simm.s32 $0x8F8;
	s4 =	simm.s32 $0x10E40  }
0x7d: {  	[tilespmem:s4], [sflag:$0x1] =	stream.indirect.gather [hbm4b:s3+s10], $0x20, s0, s10, $0xb8;
	[tilespmem:$0x19E00] =	vst v63  }
0x7e: {  	s0 =	simm.s32 $0x930;
	s4 =	simm.s32 $0x11480  }
0x7f: {  	[tilespmem:s4], [sflag:$0x1] =	stream.indirect.gather [hbm4b:s3+s10], $0x20, s0, s10, $0xb8;
	[tilespmem:$0x19E00] =	vst v63  }
0x80: {  	s0 =	simm.s32 $0x968;
	s4 =	simm.s32 $0x11AC0  }
0x81: {  	[tilespmem:s4], [sflag:$0x1] =	stream.indirect.gather [hbm4b:s3+s10], $0x20, s0, s10, $0xb8;
	[tilespmem:$0x19E00] =	vst v63  }
0x82: {  	s0 =	simm.s32 $0x9A0;
	s4 =	simm.s32 $0x12100  }
0x83: {  	[tilespmem:s4], [sflag:$0x1] =	stream.indirect.gather [hbm4b:s3+s10], $0x20, s0, s10, $0xb8;
	[tilespmem:$0x19E00] =	vst v63  }
0x84: {  	s0 =	simm.s32 $0x9D8;
	s4 =	simm.s32 $0x12740  }
0x85: {  	[tilespmem:s4], [sflag:$0x1] =	stream.indirect.gather [hbm4b:s3+s10], $0x20, s0, s10, $0xb8;
	[tilespmem:$0x19E00] =	vst v63  }
0x86: {  	s0 =	simm.s32 $0xA10;
	s4 =	simm.s32 $0x12D80  }
0x87: {  	[tilespmem:s4], [sflag:$0x1] =	stream.indirect.gather [hbm4b:s3+s10], $0x20, s0, s10, $0xb8;
	[tilespmem:$0x19E00] =	vst v63  }
0x88: {  	s0 =	simm.s32 $0xA48;
	s4 =	simm.s32 $0x133C0  }
0x89: {  	[tilespmem:s4], [sflag:$0x1] =	stream.indirect.gather [hbm4b:s3+s10], $0x20, s0, s10, $0xb8;
	[tilespmem:$0x19E00] =	vst v63  }
0x8a: {  	s0 =	simm.s32 $0xA80;
	s4 =	simm.s32 $0x13A00  }
0x8b: {  	[tilespmem:s4], [sflag:$0x1] =	stream.indirect.gather [hbm4b:s3+s10], $0x20, s0, s10, $0xb8;
	[tilespmem:$0x19E00] =	vst v63  }
0x8c: {  	s0 =	simm.s32 $0xAB8;
	s4 =	simm.s32 $0x14040  }
0x8d: {  	[tilespmem:s4], [sflag:$0x1] =	stream.indirect.gather [hbm4b:s3+s10], $0x20, s0, s10, $0xb8;
	[tilespmem:$0x19E00] =	vst v63  }
0x8e: {  	s0 =	simm.s32 $0xAF0;
	s4 =	simm.s32 $0x14680  }
0x8f: {  	[tilespmem:s4], [sflag:$0x1] =	stream.indirect.gather [hbm4b:s3+s10], $0x20, s0, s10, $0xb8;
	[tilespmem:$0x19E00] =	vst v63  }
0x90: {  	s0 =	simm.s32 $0xB28;
	s4 =	simm.s32 $0x14CC0  }
0x91: {  	[tilespmem:s4], [sflag:$0x1] =	stream.indirect.gather [hbm4b:s3+s10], $0x20, s0, s10, $0xb8;
	[tilespmem:$0x19E00] =	vst v63  }
0x92: {  	s0 =	simm.s32 $0xB60;
	s4 =	simm.s32 $0x15300  }
0x93: {  	[tilespmem:s4], [sflag:$0x1] =	stream.indirect.gather [hbm4b:s3+s10], $0x20, s0, s10, $0xb8;
	[tilespmem:$0x19E00] =	vst v63  }
0x94: {  	s0 =	simm.s32 $0xB98;
	s4 =	simm.s32 $0x15940  }
0x95: {  	[tilespmem:s4], [sflag:$0x1] =	stream.indirect.gather [hbm4b:s3+s10], $0x20, s0, s10, $0xb8;
	[tilespmem:$0x19E00] =	vst v63  }
0x96: {  	s0 =	simm.s32 $0xBD0;
	s4 =	simm.s32 $0x15F80  }
0x97: {  	[tilespmem:s4], [sflag:$0x1] =	stream.indirect.gather [hbm4b:s3+s10], $0x20, s0, s10, $0xb8;
	[tilespmem:$0x19E00] =	vst v63  }
0x98: {  	s0 =	simm.s32 $0xC08;
	s4 =	simm.s32 $0x165C0  }
0x99: {  	[tilespmem:s4], [sflag:$0x1] =	stream.indirect.gather [hbm4b:s3+s10], $0x20, s0, s10, $0xb8;
	[tilespmem:$0x19E00] =	vst v63  }
0x9a: {  	s4 =	simm.s32 $0xC40  }
0x9b: {  	[tilespmem:s5], [sflag:$0x1] =	stream.indirect.gather [hbm4b:s3+s10], $0x20, s4, s10, $0xb8;
	[tilespmem:$0x19E00] =	vst v63  }
0x9c: {  	_ = 	snop  }
0x9d: {  	[tilespmem:s12], [sflag:$0x1] =	stream.indirect.gather [hbm4b:s3+s10], $0x20, s7, s10, $0xb8;
	[tilespmem:$0x19E00] =	vst v63  }
0x9e: {  	_ = 	snop  }
0x9f: {  	[tilespmem:s14], [sflag:$0x1] =	stream.indirect.gather [hbm4b:s3+s10], $0x20, s13, s10, $0xb8;
	[tilespmem:$0x19E00] =	vst v63  }
0xa0: {  	_ = 	snop  }
0xa1: {  	[tilespmem:s16], [sflag:$0x1] =	stream.indirect.gather [hbm4b:s3+s10], $0x20, s15, s10, $0xb8;
	[tilespmem:$0x19E00] =	vst v63  }
0xa2: {  	_ = 	snop  }
0xa3: {  	[tilespmem:s18], [sflag:$0x1] =	stream.indirect.gather [hbm4b:s3+s10], $0x20, s17, s10, $0xb8;
	[tilespmem:$0x19E00] =	vst v63  }
0xa4: {  	_ = 	snop  }
0xa5: {  	[tilespmem:s20], [sflag:$0x1] =	stream.indirect.gather [hbm4b:s3+s10], $0x20, s19, s10, $0xb8;
	[tilespmem:$0x19E00] =	vst v63  }
0xa6: {  	s31 =	sadd.s32 $0x3200, s31  }
0xa7: {  	[tilespmem:s22], [sflag:$0x1] =	stream.indirect.gather [hbm4b:s3+s10], $0x20, s21, s10, $0xb8;
	[tilespmem:$0x19E00] =	vst v63  }
0xa8: {  	p0 =	sne.s32 s31, $0x19000  }
0xa9: {  	[tilespmem:s24], [sflag:$0x1] =	stream.indirect.gather [hbm4b:s3+s10], $0x20, s23, s10, $0xb8;
	[tilespmem:$0x19E00] =	vst v63  }
.Ltmp0:
0xaa: {  	_ = 	snop;
	(pc) =	sbr.rel @p0 .LBB2_2-.Ltmp0, $4  }
0xab: {  	_ =	swait.ge [sflag:s26], $0xC800  }
0xac: {  	[sflag:s26] =	ssyncset.done $0x0  }
0xad: {  	s30 =	sadd.s32 $0x1C0, s30;
	s4 =	sadd.s32 $0x1900, s1;
	[sflag:s26] =	ssyncadd.s32 $0xFFFF3800  }
0xae: {  	[hbm4b:s4+s2] =	stream.linear.scatter [tilespmem:s29], [sflag:$0x5], $0xC800, $0x38;
	[tilespmem:$0x19E00] =	vst v63  }
0xaf: {  	s0 =	simm.s32 $0x4  }
0xb0: {  	_ =	swait.ge [sflag:s0], $0xC800  }
0xb1: {  	[sflag:s0] =	ssyncset.done $0x0  }
0xb2: {  	[sflag:s0] =	ssyncadd.s32 $0xFFFF3800  }
0xb3: {  	_ =	swait.ge [sflag:s25], $0xC800  }
0xb4: {  	s1 =	rddreg [dreg:$0x6]  }
0xb5: {  	s31 =	rddreg [dreg:$0x4];
	s1 =	sadd.s32 $0x1, s1  }
0xb6: {  	p0 =	sne.s32 s1, s31  }
.Ltmp1:
0xb7: {  	_ = 	snop;
	(pc) =	sbr.rel @p0 .LBB2_1-.Ltmp1, $3  }
0xb8: {  	_ =	sdelay $0x1  }
0xb9: {  	[sflag:s25] =	ssyncset.done $0x0  }
0xba: {  	[sflag:s25] =	ssyncadd.s32 $0xFFFF3800  }
0xbb: {  	_ =	sfence.sel $0x180000  }
0xbc: {  	[bflag:$0x0] =	sbarrier.arrive $0xFFFF  }
0xbd: {  	_ =	strace $0x90000047  }
0xbe: {  	s0 =	stileid.u32;
	[bflag:$0x2] =	sbarrier.arrive $0xFFFF  }
0xbf: {  	p0 =	sne.s32 s0, $0x0;
	s0 =	rddreg [dreg:$0x2]  }
0xc0: {  	s0 =	sadd.s32 @!p0 $0x100000, s0  }
0xc1: {  	[sflag:s0] =	ssyncadd.tile.s32 @!p0 $0x1;
	_ =	shalt  }
.Lfunc_end2:
_tile_overlayer_lowered:
.L_overlay_start_2:
0xc2: {  	(tag) =	ssettag $0x2  }
0xc3: {  	s0 =	rddreg [dreg:$0x0];
	s2 =	stileid.u32  }
0xc4: {  	s1 =	rddreg [dreg:$0x1];
	p0 =	sne.s32 s2, $0x0  }
0xc5: {  	s3 =	rddreg [dreg:$0x2];
	[bflag:$0x3] =	sbarrier.arrive $0xFFFF;
	s2 =	simm.s32 @!p0 $0x1C06  }
0xc6: {  	[timem:s3], [sflag:s2] =	dma.local @!p0 [hbm:s0], s1  }
0xc7: {  	s0 =	simm.s32 @!p0 $0x6  }
0xc8: {  	_ =	swait.ge @!p0 [sflag:s0], s1  }
0xc9: {  	s1 =	ssub.s32 @!p0 $0x0, s1;
	[sflag:s0] =	ssyncset.done @!p0 $0x0  }
0xca: {  	[sflag:s0] =	ssyncadd.s32 @!p0 s1  }
0xcb: {  	[bflag:$0x3] =	sbarrier.arrive $0xFFFF  }
0xcc: {  	_ =	shalt  }

// kernel: sparse-core-data-format-call.cloned.1.call-start
scs
called_computation_lowered:
.L_overlay_start_0:
0x0: {  	s2 =	sld [smem:$0x3FD9]  }
0x1: {  	s3 =	sld [smem:$0x3FFE];
	_ =	sdelay $0x1  }
0x2: {  	s1 =	srdreg.scid  }
0x3: {  	s0 =	sand.u32 $0x1, s1  }
0x4: {  	s18 =	sshll.u32 s0, $0xA;
	s2 =	sadd.s32 s3, s2  }
0x5: {  	s2 =	sadd.s32 s2, s18  }
0x6: {  	[smem:$0x3FC6] =	sst s2  }
0x7: {  	_ = 	snop  }
0x8: {  	s2 =	sld [smem:$0x3FD0];
	(tm) =	ssettm $0x1  }
0x9: {  	s19 =	sld [smem:$0x3FFB];
	_ =	sdelay $0x3  }
0xa: {  	_ =	strace s19  }
0xb: {  	s3 =	sld [smem:$0x3FFC];
	_ =	sdelay $0x3  }
0xc: {  	_ =	strace s3  }
0xd: {  	s3 =	sld [smem:$0x3FFD];
	_ =	sdelay $0x3  }
0xe: {  	_ =	strace s3  }
0xf: {  	_ =	strace $0x8FFFFFFF  }
0x10: {  	s20 =	sld [smem:$0x3FDB];
	_ =	sdelay $0x1  }
0x11: {  	s4 =	simm.s32 $_scs_section_size  }
0x12: {  	s5 =	simm.s32 $_size__tile_overlayer_lowered;
	s6 =	simm.s32 $_tile_overlayer_lowered  }
0x13: {  	s23 =	simm.s32 $0x1BFF;
	s22 =	sshll.u32 s6, $0x1;
	s3 =	sadd.s32 s4, s20  }
0x14: {  	s7 =	simm.s32 $0x0;
	s21 =	sshll.u32 s5, $0x1;
	s5 =	sadd.s32 s22, s3  }
0x15: {  	[timem:s7], [sflag:s23] =	dma.local [hbm:s5], s21  }
0x16: {  	_ =	swait.ge [sflag:s23], s21  }
0x17: {  	s4 =	ssub.s32 $0x0, s21;
	[sflag:s23] =	ssyncset.done $0x0  }
0x18: {  	[sflag:s23] =	ssyncadd.s32 s4;
	_ =	sdelay $0x1  }
0x19: {  	s24 =	simm.s32 $0x1B8B  }
0x1a: {  	_ =	swait.ge [sflag:s24], $0x1  }
0x1b: {  	[sflag:s24] =	ssyncset.done $0x0  }
0x1c: {  	s26 =	simm.s32 $0x1B8E;
	s25 =	sld [smem:$0x3FFE];
	[sflag:s24] =	ssyncadd.s32 $0xFFFFFFFF  }
0x1d: {  	s27 =	simm.s32 $execute0_lowered;
	[smem:$0x3FD2] =	sst s26  }
0x1e: {  	s5 =	sshll.u32 s27, $0x1;
	_ =	strace $0x80000049;
	[dreg:$0x1] =	wrdreg $0xFFFFFFFF  }
0x1f: {  	s28 =	simm.s32 $_size_execute0_lowered;
	s3 =	sadd.s32 s3, s5;
	[dreg:$0x0] =	wrdreg $0x0  }
0x20: {  	s5 =	sshll.u32 s28, $0x1;
	[dreg:$0x2] =	wrdreg s3  }
0x21: {  	[dreg:$0x3] =	wrdreg s5  }
0x22: {  	[dreg:$0x4] =	wrdreg $0xC0  }
0x23: {  	_ =	task [dreg:s7], $0x5FFFF  }
0x24: {  	[dreg:$0x1] =	wrdreg $0xFFFFFFFF  }
0x25: {  	[dreg:$0x0] =	wrdreg $0x60  }
0x26: {  	[dreg:$0x2] =	wrdreg s25  }
0x27: {  	[dreg:$0x3] =	wrdreg s2  }
0x28: {  	[dreg:$0x4] =	wrdreg $0x9  }
0x29: {  	_ =	task.clear_ibuf [dreg:s7], $0x5FFFF;
	_ =	strace $0x90000049  }
0x2a: {  	s29 =	simm.s32 $0x9;
	_ =	strace $0x8000004B  }
0x2b: {  	_ =	swait.ge [sflag:s29], $0x1  }
0x2c: {  	[sflag:s29] =	ssyncadd.s32 $0xFFFFFFFF  }
0x2d: {  	_ =	strace $0x9000004B  }
0x2e: {  	_ =	sfence  }
0x2f: {  	s30 =	sld [smem:$0x0];
	_ =	sdelay $0x2  }
0x30: {  	s31 =	sshll.u32 s1, $0xD;
	s1 =	sshrl.u32 s1, $0x2  }
0x31: {  	s3 =	sand.u32 $0x4000, s31;
	s1 =	sadd.s32 s1, s30  }
0x32: {  	s0 =	sor.u32 s3, s0;
	s1 =	sshll.u32 s1, $0x11  }
0x33: {  	s0 =	sor.u32 s1, s0  }
0x34: {  	s0 =	sadd.s32 $0x8F2B, s0  }
0x35: {  	[sflag:s0] =	ssyncadd.remote.s32 $0x1  }
0x36: {  	_ =	sfence.sel $0xFFFF  }
0x37: {  	[dreg:$0x0] =	wrdreg $0xFFFFFFFF;
	(pc) =	sbr.abs _section_cstart, $3  }
0x38: {  	[dreg:$0x1] =	wrdreg $0xFFFFFFFF  }
0x39: {  	_ =	task.clear_ibuf [dreg:s7], $0x2FFFF;
	_ =	strace $0x9FFFFFFF  }
0x3a: {  	(tm) =	ssettm $0x7FFFFFFF  }
0x3b: {  	_ =	shalt  }
tec
execute0_lowered:
.L_overlay_start_1:
0x0: {  	(tag) =	ssettag $0x1  }
0x1: {  	s0 =	srdreg.scid  }
0x2: {  	s1 =	sshll.u32 s0, $0x4  }
0x3: {  	s0 =	stileid.u32;
	s1 =	sand.u32 $0x10, s1  }
0x4: {  	s1 =	sor.u32 s0, s1  }
0x5: {  	s6 =	rddreg [dreg:$0x0];
	s4 =	simm.s32 $0x1;
	s2 =	sshll.u32 s1, $0x7  }
0x6: {  	s7 =	simm.s32 $0x2;
	s12 =	simm.s32 $0x0;
	s1 =	ssub.s32 $0x4000, s2  }
0x7: {  	s8 =	simm.s32 $0x20000;
	s13 =	simm.s32 $0x0;
	s3 =	sand.u32 $0xF80, s1  }
0x8: {  	s9 =	simm.s32 $0x0;
	s5 =	sshrl.u32 s1, $0xC;
	p0 =	sne.s32 s3, $0x0  }
.Ltmp0:
0x9: {  	s1 =	rddreg [dreg:$0x2];
	s4 =	simm.s32 @!p0 $0x0;
	(pc) =	sbr.rel .LBB1_1-.Ltmp0, $4  }
0xa: {  	s11 =	simm.s32 $0x0;
	s3 =	rddreg [dreg:$0x1];
	s5 =	sadd.s32 s4, s5  }
0xb: {  	_ =	strace $0x8000004A;
	s4 =	simm.s32 $0x1;
	s5 =	smul.u32 $0x32, s5  }
0xc: {  	s6 =	sadd.s32 $0xA00, s6;
	s10 =	smov.u32 s2;
	[sflag:s4] =	ssyncpa.u1 $0x0  }
0xd: {  	p0 =	por $0x0, $0x0;
	[sflag:s7] =	ssyncpa.u1 $0x0;
	s7 =	sor.u32 $0x1, s5  }
.LBB1_4:
0xe: {  	s16 =	sshll.u32 s13, $0x3;
	s17 =	sand.u32 $0x78, s13  }
0xf: {  	s30 =	sand.u32 $0xF800, s13;
	s12 =	sshll.u32 s12, $0x10;
	s16 =	sand.u32 $0x3C00, s16  }
0x10: {  	s31 =	sand.u32 $0x7, s13;
	s16 =	sor.u32 s17, s16;
	s17 =	sadd.s32 s3, s30  }
0x11: {  	s13 =	sshll.u32 s31, $0x12;
	s16 =	sshrl.u32 s16, $0x3;
	s12 =	sadd.s32 s12, s17  }
0x12: {  	[tilespmem:s15+$0x0 ss:$0x81] =	vst.msk $0xffff, v0;
	s13 =	sor.u32 $0x400, s13;
	s12 =	sadd.s32 s16, s12  }
0x13: {  	[hbm4b:s12+s13] =	stream.strided.scatter [tilespmem:s14], [sflag:$0x2], $0x1000, s8, s13, $0x20;
	[tilespmem:$0x4040] =	vst v63  }
.LBB1_5:
0x14: {  	s14 =	sadd.s32 $0x1, s9  }
0x15: {  	s12 =	sadd.s32 $0x1000, s10;
	s16 =	smov.u32 s10;
	p2 =	sgt.s32 s14, $0x31  }
0x16: {  	s16 =	smov.u32 @p2 s12  }
0x17: {  	s14 =	simm.s32 @p2 $0x0;
	p2 =	sgt.s32 s16, $0x3FFF  }
0x18: {  	s16 =	smov.u32 @p2 s2;
	p2 =	sne.s32 s11, s7  }
.Ltmp1:
0x19: {  	p1 =	slt.u32 s11, $0x2;
	(pc) =	sbr.rel @!p2 .LBB1_6-.Ltmp1, $4  }
0x1a: {  	s15 =	simm.s32 @!p1 $0x2  }
0x1b: {  	s13 =	smov.u32 s10;
	p0 =	por !p0, !p0;
	_ =	swait.ge @!p1 [sflag:s15], $0x1000  }
0x1c: {  	s12 =	smov.u32 s9;
	[sflag:s15] =	ssyncset.done @!p1 $0x0;
	s9 =	smov.u32 s14  }
0x1d: {  	s11 =	sadd.s32 $0x1, s11;
	[sflag:s15] =	ssyncadd.s32 @!p1 $0xFFFFF000;
	s10 =	smov.u32 s16  }
.LBB1_1:
0x1e: {  	p1 =	sge.u32 s11, s5  }
0x1f: {  	s14 =	sand.u32 @!p1 $0x1FFFFFF, s9  }
0x20: {  	s15 =	smulhi.u32 @!p1 $0x4924925, s14;
	_ =	sdelay $0x1  }
0x21: {  	s15 =	smul.u32 @!p1 $0x38, s15  }
0x22: {  	s16 =	sxor.u32 @!p1 $0xFFFFFFFF, s11;
	s17 =	smul.u32 @!p1 $0x380, s10  }
0x23: {  	s31 =	sadd.s32 $0xFFFFFFFF, s11;
	s16 =	sshll.u32 @!p1 s16, $0xC;
	s14 =	ssub.s32 @!p1 s14, s15  }
0x24: {  	s15 =	sand.u32 @!p1 $0x1000, s16;
	s16 =	sadd.s32 @!p1 s6, s17;
	s14 =	sshll.u32 @!p1 s14, $0x4  }
0x25: {  	s17 =	simm.s32 @!p1 $0x1C00;
	s14 =	sadd.s32 @!p1 s14, s16;
	s16 =	simm.s32 @!p1 $0x20  }
0x26: {  	[tilespmem:s15], [sflag:$0x1] =	stream.strided.gather @!p1 [hbm4b:s14+s16], $0x1000, s17, s16, $0x38;
	[tilespmem:$0x4040] =	vst v63  }
0x27: {  	p1 =	sge.u32 s31, s5  }
.Ltmp2:
0x28: {  	_ = 	snop;
	(pc) =	sbr.rel @p1 .LBB1_5-.Ltmp2, $1  }
0x29: {  	_ =	sdelay $0x3  }
0x2a: {  	s14 =	simm.s32 $0x1  }
0x2b: {  	_ =	swait.ge [sflag:s4], $0x1000;
	s14 =	simm.s32 @!p0 $0x0  }
0x2c: {  	[sflag:s4] =	ssyncset.done $0x0;
	s15 =	sshll.u32 s14, $0xC  }
0x2d: {  	[sflag:s4] =	ssyncadd.s32 $0xFFFFF000;
	s18 =	sor.u32 $0x10, s15  }
0x2e: {  	s14 =	smul.u32 $0x4080, s14;
	v1 =	vld [tilespmem:s18+$0x0]  }
0x2f: {  	s30 =	sand.u32 $0x1, s11;
	v0 =	vld [tilespmem:s18+$0xFFFFFFF0]  }
0x30: {  	s15 =	smul.u32 $0x4080, s30;
	s14 =	sshrl.u32 s14, $0x2  }
0x31: {  	s16 =	sor.u32 $0x2000, s14  }
0x32: {  	s31 =	sshrl.u32 s15, $0x2;
	s15 =	sadd.s32 $0x0, s16  }
0x33: {  	s17 =	simm.s32 $0x4;
	s18 =	sadd.s32 $0x20, s18;
	s14 =	sor.u32 $0x2000, s31;
	[tilespmem:s15+$0x810 ss:$0x81] =	vst.msk $0xffff, v1  }
.LBB1_3:
0x34: {  	v1 =	vld [tilespmem:s18+$0x0];
	p1 =	sne.s32 s17, $0x1FC;
	[tilespmem:s15+$0x0 ss:$0x81] =	vst.msk $0xffff, v0;
	s15 =	smov.u32 s17;
	s17 =	sadd.s32 $0x4, s17  }
.Ltmp3:
0x35: {  	v0 =	vld [tilespmem:s18+$0xFFFFFFF0];
	(pc) =	sbr.rel @p1 .LBB1_3-.Ltmp3, $4  }
0x36: {  	_ = 	snop  }
0x37: {  	s15 =	sshra.s32 s15, $0x2  }
0x38: {  	s15 =	sadd.s32 s15, s16  }
0x39: {  	s18 =	sadd.s32 $0x20, s18;
	[tilespmem:s15+$0x810 ss:$0x81] =	vst.msk $0xffff, v1  }
.Ltmp4:
0x3a: {  	_ = 	snop;
	(pc) =	sbr.rel .LBB1_4-.Ltmp4, $1  }
0x3b: {  	_ =	sdelay $0x3  }
.LBB1_6:
0x3c: {  	_ =	sfence.sel $0x180000  }
0x3d: {  	s2 =	simm.s32 $0x1;
	[bflag:$0x0] =	sbarrier.arrive $0xFFFF  }
0x3e: {  	s31 =	simm.s32 $0x2;
	[sflag:s2] =	ssyncpa.u1 $0x1  }
0x3f: {  	[sflag:s31] =	ssyncpa.u1 $0x1  }
0x40: {  	p0 =	sne.s32 s0, $0x0;
	_ =	strace $0x9000004A  }
0x41: {  	s0 =	sadd.s32 @!p0 $0x100000, s1;
	[bflag:$0x2] =	sbarrier.arrive $0xFFFF  }
0x42: {  	[sflag:s0] =	ssyncadd.tile.s32 @!p0 $0x1;
	_ =	shalt  }
.Lfunc_end1:
_tile_overlayer_lowered:
.L_overlay_start_2:
0x43: {  	(tag) =	ssettag $0x2  }
0x44: {  	s0 =	rddreg [dreg:$0x0];
	s2 =	stileid.u32  }
0x45: {  	s1 =	rddreg [dreg:$0x1];
	p0 =	sne.s32 s2, $0x0  }
0x46: {  	s3 =	rddreg [dreg:$0x2];
	[bflag:$0x3] =	sbarrier.arrive $0xFFFF;
	s2 =	simm.s32 @!p0 $0x1C01  }
0x47: {  	[timem:s3], [sflag:s2] =	dma.local @!p0 [hbm:s0], s1  }
0x48: {  	s0 =	simm.s32 @!p0 $0x1  }
0x49: {  	_ =	swait.ge @!p0 [sflag:s0], s1  }
0x4a: {  	s1 =	ssub.s32 @!p0 $0x0, s1;
	[sflag:s0] =	ssyncset.done @!p0 $0x0  }
0x4b: {  	[sflag:s0] =	ssyncadd.s32 @!p0 s1  }
0x4c: {  	[bflag:$0x3] =	sbarrier.arrive $0xFFFF  }
0x4d: {  	_ =	shalt  }

</sc_bundles>
